<compile_context>
chip_gen: v7x
topology: tpu7x:2x2x1
jax: 0.10.2.dev20260603
libtpu: 0.0.44.dev20260713+nightly
codegen_flags: <defaults>
</compile_context>

<pallas_src>
import functools

import jax
import jax.numpy as jnp
from jax import lax
from jax.experimental import pallas as pl
from jax.experimental.pallas import tpu as pltpu
from jax.experimental.pallas import tpu_sc as plsc

NUM_CODEBOOKS = 4
CODEBOOK_BITS = 17
CODEBOOK_DIM = 16
HIDDEN_SIZE = 768
B, S = 4, 4096
T = B * S
V = NUM_CODEBOOKS * (1 << CODEBOOK_BITS)
RP128 = 128 // CODEBOOK_DIM

_RB = 2048
_NRB = V // RP128 // _RB


def _repack_body(in_ref, out_ref):
    for k in range(RP128):
        out_ref[:, k * CODEBOOK_DIM:(k + 1) * CODEBOOK_DIM] = in_ref[:, k, :]


def _repack_tc(table3d):
    return pl.pallas_call(
        _repack_body,
        grid=(_NRB,),
        in_specs=[pl.BlockSpec((_RB, RP128, CODEBOOK_DIM),
                               lambda i: (i, 0, 0))],
        out_specs=pl.BlockSpec((_RB, 128), lambda i: (i, 0)),
        out_shape=jax.ShapeDtypeStruct((V // RP128, 128), jnp.float32),
        compiler_params=pltpu.CompilerParams(
            dimension_semantics=("arbitrary",),
        ),
    )(table3d)


_NC, _NS = 2, 16
_NW = _NC * _NS
_B_PER_W = T // _NW
_CHUNK = 128
_NCHUNK = _B_PER_W // _CHUNK


@functools.cache
def _gather_sc():
    @functools.partial(
        pl.kernel,
        mesh=plsc.VectorSubcoreMesh(core_axis_name="c", subcore_axis_name="s"),
        compiler_params=pltpu.CompilerParams(use_tc_tiling_on_sc=False),
        out_type=jax.ShapeDtypeStruct((T, CODEBOOK_DIM), jnp.float32),
        scratch_types=[
            pltpu.VMEM((_NCHUNK, _CHUNK), jnp.int32),
            pltpu.VMEM((_B_PER_W, CODEBOOK_DIM), jnp.float32),
            pltpu.SemaphoreType.DMA,
        ],
    )
    def gather(ids_hbm, table_hbm, out_hbm, idx_v, rows_v, sem):
        wid = lax.axis_index("s") * _NC + lax.axis_index("c")
        pltpu.sync_copy(ids_hbm.at[pl.ds(wid * _NCHUNK, _NCHUNK)], idx_v)
        copies = [
            pltpu.async_copy(
                table_hbm.at[idx_v.at[j]],
                rows_v.at[pl.ds(j * _CHUNK, _CHUNK)],
                sem,
            )
            for j in range(_NCHUNK)
        ]
        for cp in copies:
            cp.wait()
        pltpu.sync_copy(rows_v, out_hbm.at[pl.ds(wid * _B_PER_W, _B_PER_W)])

    return gather


_TT = 1024
_NT = T // _TT


def _mlp_body(e_ref, id_ref, w1_ref, w2_ref, b2_ref, o_ref):
    e = e_ref[...]
    ids = id_ref[...]
    c = lax.shift_right_logical(ids, CODEBOOK_BITS)

    oh4 = (c == lax.broadcasted_iota(jnp.int32, (1, NUM_CODEBOOKS), 1))
    oh4b = oh4.astype(jnp.bfloat16)
    eb = e.astype(jnp.bfloat16)

    placed = jnp.concatenate(
        [eb * oh4b[:, i:i + 1] for i in range(NUM_CODEBOOKS)] + [oh4b],
        axis=1,
    )
    h = lax.dot_general(
        placed, w1_ref[...], (((1,), (0,)), ((), ())),
        preferred_element_type=jnp.float32,
    )

    g = 0.5 * h * (1.0 + lax.erf(h * 0.7071067811865476))
    gb = g.astype(jnp.bfloat16)

    gwide = jnp.concatenate(
        [gb * oh4b[:, i:i + 1] for i in range(NUM_CODEBOOKS)],
        axis=1,
    )
    bias2 = lax.dot_general(
        oh4b, b2_ref[...], (((1,), (0,)), ((), ())),
        preferred_element_type=jnp.float32,
    )
    o_ref[...] = bias2 + lax.dot_general(
        gwide, w2_ref[...], (((1,), (0,)), ((), ())),
        preferred_element_type=jnp.float32,
    )


def _mlp_tc(embeds, ids_col, w1ext, w2s, b2b):
    return pl.pallas_call(
        _mlp_body,
        grid=(_NT,),
        in_specs=[
            pl.BlockSpec((_TT, CODEBOOK_DIM), lambda i: (i, 0)),
            pl.BlockSpec((_TT, 1), lambda i: (i, 0)),
            pl.BlockSpec((NUM_CODEBOOKS * CODEBOOK_DIM + NUM_CODEBOOKS,
                          HIDDEN_SIZE), lambda i: (0, 0)),
            pl.BlockSpec((NUM_CODEBOOKS * HIDDEN_SIZE, HIDDEN_SIZE),
                         lambda i: (0, 0)),
            pl.BlockSpec((NUM_CODEBOOKS, HIDDEN_SIZE), lambda i: (0, 0)),
        ],
        out_specs=pl.BlockSpec((_TT, HIDDEN_SIZE), lambda i: (i, 0)),
        out_shape=jax.ShapeDtypeStruct((T, HIDDEN_SIZE), jnp.float32),
        compiler_params=pltpu.CompilerParams(
            dimension_semantics=("arbitrary",),
        ),
    )(embeds, ids_col, w1ext, w2s, b2b)


def kernel(codec_input_ids, table, W1, b1, W2, b2):
    ids = codec_input_ids.reshape(-1).astype(jnp.int32)
    table128 = _repack_tc(table.reshape(-1, RP128, CODEBOOK_DIM))
    embeds = _gather_sc()(
        ids.reshape(_NW * _NCHUNK, _CHUNK),
        table128.reshape(V, CODEBOOK_DIM),
    )
    w1ext = jnp.concatenate(
        [W1.reshape(NUM_CODEBOOKS * CODEBOOK_DIM, HIDDEN_SIZE), b1], axis=0
    ).astype(jnp.bfloat16)
    w2s = W2.reshape(NUM_CODEBOOKS * HIDDEN_SIZE,
                     HIDDEN_SIZE).astype(jnp.bfloat16)
    out = _mlp_tc(embeds, ids.reshape(T, 1), w1ext, w2s,
                  b2.astype(jnp.bfloat16))
    return out.reshape(B, S, HIDDEN_SIZE)

# --- scband reference (transcript-rebuilt; emitter-appended) ---
"""Pipeline reference for scband-codec-llama-codec-embedding-56461640073704 (READ-ONLY COPY).

The authoritative reference and input builder live on the scoring server;
editing this copy changes nothing except your own understanding.
"""

import jax, jax.numpy as jnp
import numpy as np

NUM_CODEBOOKS = 4
CODEBOOK_SIZE = 131072
CODEBOOK_DIM = 16
HIDDEN_SIZE = 768
CODEC_VOCAB_START = 0
PAD_IDX = 0
B, S = 4, 4096


def setup_inputs(seed: int = 0) -> dict:
    key = jax.random.key(seed)
    ks = jax.random.split(key, 6)
    codec_input_ids = jax.random.randint(ks[0], (B, S), 0, NUM_CODEBOOKS * CODEBOOK_SIZE, dtype=jnp.int64 if jax.config.read('jax_enable_x64') else jnp.int32)
    table = jax.random.normal(ks[1], (NUM_CODEBOOKS * CODEBOOK_SIZE, CODEBOOK_DIM), dtype=jnp.float32)
    table = table.at[PAD_IDX].set(0.0)  # nn.Embedding padding_idx zeroes that row
    W1 = jax.random.normal(ks[2], (NUM_CODEBOOKS, CODEBOOK_DIM, HIDDEN_SIZE), dtype=jnp.float32) * 0.02
    b1 = jnp.zeros((NUM_CODEBOOKS, HIDDEN_SIZE), dtype=jnp.float32)
    W2 = jax.random.normal(ks[3], (NUM_CODEBOOKS, HIDDEN_SIZE, HIDDEN_SIZE), dtype=jnp.float32) * 0.02
    b2 = jnp.zeros((NUM_CODEBOOKS, HIDDEN_SIZE), dtype=jnp.float32)
    return {"codec_input_ids": codec_input_ids, "table": table, "W1": W1, "b1": b1, "W2": W2, "b2": b2}


def reference(codec_input_ids, table, W1, b1, W2, b2):
    ids = codec_input_ids - CODEC_VOCAB_START
    embeds = jnp.take(table, ids, axis=0)  # [B, S, CODEBOOK_DIM] gather
    out = jnp.zeros(ids.shape + (HIDDEN_SIZE,), dtype=embeds.dtype)
    for i in range(NUM_CODEBOOKS):
        mask = (ids >= i * CODEBOOK_SIZE) & (ids < (i + 1) * CODEBOOK_SIZE)
        h = embeds @ W1[i] + b1[i]
        h = jax.nn.gelu(h, approximate=False)
        h = h @ W2[i] + b2[i]
        out = jnp.where(mask[..., None], h, out)
    return out

if __name__ == "__main__":
    import jax
    _d = setup_inputs()
    print(jax.jit(kernel)(*tuple(_d.values())))

</pallas_src>

<mosaic_0001>
#map = affine_map<(d0, d1) -> (0, 0)>
module attributes {stable_mosaic.version = 14 : i64} {
  func.func @gather(%arg0: i32, %arg1: i32, %arg2: memref<128x128xi32, #tpu.memory_space<hbm>>, %arg3: memref<524288x16xf32, #tpu.memory_space<hbm>>, %arg4: memref<16384x16xf32, #tpu.memory_space<hbm>>, %arg5: memref<4x128xi32, #tpu.memory_space<vmem>>, %arg6: memref<512x16xf32, #tpu.memory_space<vmem>>, %arg7: memref<!tpu.dma_semaphore, #tpu.memory_space<semaphore_mem>>) attributes {dimension_semantics = [#tpu.dimension_semantics<core_parallel>, #tpu.dimension_semantics<subcore_parallel>], iteration_bounds = array<i64: 2, 16>, scalar_prefetch = 0 : i64, scratch_operands = 3 : i64, tpu.core_type = #tpu.core_type<sc_vector_subcore>, window_params = [{transform_indices = #map}, {transform_indices = #map}, {transform_indices = #map}]} {
    %mul3A = arith.constant 2 : i32
    %mul3A_0 = arith.muli %arg1, %mul3A : i32
    %add3A = arith.addi %mul3A_0, %arg0 : i32
    %mul3A_1 = arith.constant 4 : i32
    %mul3A_2 = arith.muli %add3A, %mul3A_1 : i32
    "tpu.region"() ({
      %run_scoped3A = tpu.sem_alloc : memref<!tpu.dma_semaphore, #tpu.memory_space<semaphore_mem>>
      %dma_start3A_83 = arith.constant 0 : i32
      %dma_start3A_84 = tpu.memref_slice %arg2[%mul3A_2, %dma_start3A_83] : memref<128x128xi32, #tpu.memory_space<hbm>> -> memref<4x128xi32, #tpu.memory_space<hbm>>
      %dma_start3A_85 = arith.constant 0 : i32
      %dma_start3A_86 = tpu.memref_slice %arg2[%mul3A_2, %dma_start3A_85] : memref<128x128xi32, #tpu.memory_space<hbm>> -> memref<4x128xi32, #tpu.memory_space<hbm>>
      tpu.enqueue_dma source(%dma_start3A_86 : memref<4x128xi32, #tpu.memory_space<hbm>>) target(%arg5 : memref<4x128xi32, #tpu.memory_space<vmem>>) target_semaphore(%run_scoped3A : memref<!tpu.dma_semaphore, #tpu.memory_space<semaphore_mem>>)
      %dma_wait3A_87 = arith.constant 0 : i32
      %dma_wait3A_88 = tpu.memref_slice %arg2[%mul3A_2, %dma_wait3A_87] : memref<128x128xi32, #tpu.memory_space<hbm>> -> memref<4x128xi32, #tpu.memory_space<hbm>>
      %dma_wait3A_89 = arith.constant 0 : i32
      %dma_wait3A_90 = tpu.memref_slice %arg2[%mul3A_2, %dma_wait3A_89] : memref<128x128xi32, #tpu.memory_space<hbm>> -> memref<4x128xi32, #tpu.memory_space<hbm>>
      tpu.wait_dma2 semaphore(%run_scoped3A : memref<!tpu.dma_semaphore, #tpu.memory_space<semaphore_mem>>) src(%dma_wait3A_90 : memref<4x128xi32, #tpu.memory_space<hbm>>) dst(%arg5 : memref<4x128xi32, #tpu.memory_space<vmem>>)
      tpu.yield
    }) : () -> ()
    %dma_start3A = arith.constant 0 : i32
    %dma_start3A_3 = arith.constant 0 : i32
    %dma_start3A_4 = arith.constant 0 : i32
    %dma_start3A_5 = tpu.memref_slice %arg6[%dma_start3A_3, %dma_start3A_4] : memref<512x16xf32, #tpu.memory_space<vmem>> -> memref<128x16xf32, #tpu.memory_space<vmem>>
    %dma_start3A_6 = arith.constant 0 : i32
    %dma_start3A_7 = tpu.memref_slice %arg5[%dma_start3A, %dma_start3A_6] : memref<4x128xi32, #tpu.memory_space<vmem>> -> memref<1x128xi32, #tpu.memory_space<vmem>>
    %dma_start3A_8 = tpu.memref_squeeze %dma_start3A_7 : memref<1x128xi32, #tpu.memory_space<vmem>> -> memref<128xi32, #tpu.memory_space<vmem>>
    %dma_start3A_9 = arith.constant 0 : i32
    %dma_start3A_10 = arith.constant 0 : i32
    %dma_start3A_11 = tpu.memref_slice %arg3[%dma_start3A_9, %dma_start3A_10] : memref<524288x16xf32, #tpu.memory_space<hbm>> -> memref<524288x16xf32, #tpu.memory_space<hbm>>
    tpu.enqueue_indirect_dma source(%dma_start3A_11 : memref<524288x16xf32, #tpu.memory_space<hbm>>) target(%dma_start3A_5 : memref<128x16xf32, #tpu.memory_space<vmem>>) offsets(%dma_start3A_8 : memref<128xi32, #tpu.memory_space<vmem>>) semaphore(%arg7 : memref<!tpu.dma_semaphore, #tpu.memory_space<semaphore_mem>>)
    %dma_start3A_12 = arith.constant 1 : i32
    %dma_start3A_13 = arith.constant 128 : i32
    %dma_start3A_14 = arith.constant 0 : i32
    %dma_start3A_15 = tpu.memref_slice %arg6[%dma_start3A_13, %dma_start3A_14] : memref<512x16xf32, #tpu.memory_space<vmem>> -> memref<128x16xf32, #tpu.memory_space<vmem>>
    %dma_start3A_16 = arith.constant 0 : i32
    %dma_start3A_17 = tpu.memref_slice %arg5[%dma_start3A_12, %dma_start3A_16] : memref<4x128xi32, #tpu.memory_space<vmem>> -> memref<1x128xi32, #tpu.memory_space<vmem>>
    %dma_start3A_18 = tpu.memref_squeeze %dma_start3A_17 : memref<1x128xi32, #tpu.memory_space<vmem>> -> memref<128xi32, #tpu.memory_space<vmem>>
    %dma_start3A_19 = arith.constant 0 : i32
    %dma_start3A_20 = arith.constant 0 : i32
    %dma_start3A_21 = tpu.memref_slice %arg3[%dma_start3A_19, %dma_start3A_20] : memref<524288x16xf32, #tpu.memory_space<hbm>> -> memref<524288x16xf32, #tpu.memory_space<hbm>>
    tpu.enqueue_indirect_dma source(%dma_start3A_21 : memref<524288x16xf32, #tpu.memory_space<hbm>>) target(%dma_start3A_15 : memref<128x16xf32, #tpu.memory_space<vmem>>) offsets(%dma_start3A_18 : memref<128xi32, #tpu.memory_space<vmem>>) semaphore(%arg7 : memref<!tpu.dma_semaphore, #tpu.memory_space<semaphore_mem>>)
    %dma_start3A_22 = arith.constant 2 : i32
    %dma_start3A_23 = arith.constant 256 : i32
    %dma_start3A_24 = arith.constant 0 : i32
    %dma_start3A_25 = tpu.memref_slice %arg6[%dma_start3A_23, %dma_start3A_24] : memref<512x16xf32, #tpu.memory_space<vmem>> -> memref<128x16xf32, #tpu.memory_space<vmem>>
    %dma_start3A_26 = arith.constant 0 : i32
    %dma_start3A_27 = tpu.memref_slice %arg5[%dma_start3A_22, %dma_start3A_26] : memref<4x128xi32, #tpu.memory_space<vmem>> -> memref<1x128xi32, #tpu.memory_space<vmem>>
    %dma_start3A_28 = tpu.memref_squeeze %dma_start3A_27 : memref<1x128xi32, #tpu.memory_space<vmem>> -> memref<128xi32, #tpu.memory_space<vmem>>
    %dma_start3A_29 = arith.constant 0 : i32
    %dma_start3A_30 = arith.constant 0 : i32
    %dma_start3A_31 = tpu.memref_slice %arg3[%dma_start3A_29, %dma_start3A_30] : memref<524288x16xf32, #tpu.memory_space<hbm>> -> memref<524288x16xf32, #tpu.memory_space<hbm>>
    tpu.enqueue_indirect_dma source(%dma_start3A_31 : memref<524288x16xf32, #tpu.memory_space<hbm>>) target(%dma_start3A_25 : memref<128x16xf32, #tpu.memory_space<vmem>>) offsets(%dma_start3A_28 : memref<128xi32, #tpu.memory_space<vmem>>) semaphore(%arg7 : memref<!tpu.dma_semaphore, #tpu.memory_space<semaphore_mem>>)
    %dma_start3A_32 = arith.constant 3 : i32
    %dma_start3A_33 = arith.constant 384 : i32
    %dma_start3A_34 = arith.constant 0 : i32
    %dma_start3A_35 = tpu.memref_slice %arg6[%dma_start3A_33, %dma_start3A_34] : memref<512x16xf32, #tpu.memory_space<vmem>> -> memref<128x16xf32, #tpu.memory_space<vmem>>
    %dma_start3A_36 = arith.constant 0 : i32
    %dma_start3A_37 = tpu.memref_slice %arg5[%dma_start3A_32, %dma_start3A_36] : memref<4x128xi32, #tpu.memory_space<vmem>> -> memref<1x128xi32, #tpu.memory_space<vmem>>
    %dma_start3A_38 = tpu.memref_squeeze %dma_start3A_37 : memref<1x128xi32, #tpu.memory_space<vmem>> -> memref<128xi32, #tpu.memory_space<vmem>>
    %dma_start3A_39 = arith.constant 0 : i32
    %dma_start3A_40 = arith.constant 0 : i32
    %dma_start3A_41 = tpu.memref_slice %arg3[%dma_start3A_39, %dma_start3A_40] : memref<524288x16xf32, #tpu.memory_space<hbm>> -> memref<524288x16xf32, #tpu.memory_space<hbm>>
    tpu.enqueue_indirect_dma source(%dma_start3A_41 : memref<524288x16xf32, #tpu.memory_space<hbm>>) target(%dma_start3A_35 : memref<128x16xf32, #tpu.memory_space<vmem>>) offsets(%dma_start3A_38 : memref<128xi32, #tpu.memory_space<vmem>>) semaphore(%arg7 : memref<!tpu.dma_semaphore, #tpu.memory_space<semaphore_mem>>)
    %dma_wait3A = arith.constant 0 : i32
    %dma_wait3A_42 = arith.constant 0 : i32
    %dma_wait3A_43 = arith.constant 0 : i32
    %dma_wait3A_44 = tpu.memref_slice %arg6[%dma_wait3A_42, %dma_wait3A_43] : memref<512x16xf32, #tpu.memory_space<vmem>> -> memref<128x16xf32, #tpu.memory_space<vmem>>
    %dma_wait3A_45 = arith.constant 0 : i32
    %dma_wait3A_46 = tpu.memref_slice %arg5[%dma_wait3A, %dma_wait3A_45] : memref<4x128xi32, #tpu.memory_space<vmem>> -> memref<1x128xi32, #tpu.memory_space<vmem>>
    %dma_wait3A_47 = tpu.memref_squeeze %dma_wait3A_46 : memref<1x128xi32, #tpu.memory_space<vmem>> -> memref<128xi32, #tpu.memory_space<vmem>>
    %dma_wait3A_48 = arith.constant 0 : i32
    %dma_wait3A_49 = arith.constant 0 : i32
    %dma_wait3A_50 = tpu.memref_slice %arg3[%dma_wait3A_48, %dma_wait3A_49] : memref<524288x16xf32, #tpu.memory_space<hbm>> -> memref<524288x16xf32, #tpu.memory_space<hbm>>
    tpu.wait_indirect_dma semaphore(%arg7 : memref<!tpu.dma_semaphore, #tpu.memory_space<semaphore_mem>>) src(%dma_wait3A_50 : memref<524288x16xf32, #tpu.memory_space<hbm>>) dst(%dma_wait3A_44 : memref<128x16xf32, #tpu.memory_space<vmem>>)
    %dma_wait3A_51 = arith.constant 1 : i32
    %dma_wait3A_52 = arith.constant 128 : i32
    %dma_wait3A_53 = arith.constant 0 : i32
    %dma_wait3A_54 = tpu.memref_slice %arg6[%dma_wait3A_52, %dma_wait3A_53] : memref<512x16xf32, #tpu.memory_space<vmem>> -> memref<128x16xf32, #tpu.memory_space<vmem>>
    %dma_wait3A_55 = arith.constant 0 : i32
    %dma_wait3A_56 = tpu.memref_slice %arg5[%dma_wait3A_51, %dma_wait3A_55] : memref<4x128xi32, #tpu.memory_space<vmem>> -> memref<1x128xi32, #tpu.memory_space<vmem>>
    %dma_wait3A_57 = tpu.memref_squeeze %dma_wait3A_56 : memref<1x128xi32, #tpu.memory_space<vmem>> -> memref<128xi32, #tpu.memory_space<vmem>>
    %dma_wait3A_58 = arith.constant 0 : i32
    %dma_wait3A_59 = arith.constant 0 : i32
    %dma_wait3A_60 = tpu.memref_slice %arg3[%dma_wait3A_58, %dma_wait3A_59] : memref<524288x16xf32, #tpu.memory_space<hbm>> -> memref<524288x16xf32, #tpu.memory_space<hbm>>
    tpu.wait_indirect_dma semaphore(%arg7 : memref<!tpu.dma_semaphore, #tpu.memory_space<semaphore_mem>>) src(%dma_wait3A_60 : memref<524288x16xf32, #tpu.memory_space<hbm>>) dst(%dma_wait3A_54 : memref<128x16xf32, #tpu.memory_space<vmem>>)
    %dma_wait3A_61 = arith.constant 2 : i32
    %dma_wait3A_62 = arith.constant 256 : i32
    %dma_wait3A_63 = arith.constant 0 : i32
    %dma_wait3A_64 = tpu.memref_slice %arg6[%dma_wait3A_62, %dma_wait3A_63] : memref<512x16xf32, #tpu.memory_space<vmem>> -> memref<128x16xf32, #tpu.memory_space<vmem>>
    %dma_wait3A_65 = arith.constant 0 : i32
    %dma_wait3A_66 = tpu.memref_slice %arg5[%dma_wait3A_61, %dma_wait3A_65] : memref<4x128xi32, #tpu.memory_space<vmem>> -> memref<1x128xi32, #tpu.memory_space<vmem>>
    %dma_wait3A_67 = tpu.memref_squeeze %dma_wait3A_66 : memref<1x128xi32, #tpu.memory_space<vmem>> -> memref<128xi32, #tpu.memory_space<vmem>>
    %dma_wait3A_68 = arith.constant 0 : i32
    %dma_wait3A_69 = arith.constant 0 : i32
    %dma_wait3A_70 = tpu.memref_slice %arg3[%dma_wait3A_68, %dma_wait3A_69] : memref<524288x16xf32, #tpu.memory_space<hbm>> -> memref<524288x16xf32, #tpu.memory_space<hbm>>
    tpu.wait_indirect_dma semaphore(%arg7 : memref<!tpu.dma_semaphore, #tpu.memory_space<semaphore_mem>>) src(%dma_wait3A_70 : memref<524288x16xf32, #tpu.memory_space<hbm>>) dst(%dma_wait3A_64 : memref<128x16xf32, #tpu.memory_space<vmem>>)
    %dma_wait3A_71 = arith.constant 3 : i32
    %dma_wait3A_72 = arith.constant 384 : i32
    %dma_wait3A_73 = arith.constant 0 : i32
    %dma_wait3A_74 = tpu.memref_slice %arg6[%dma_wait3A_72, %dma_wait3A_73] : memref<512x16xf32, #tpu.memory_space<vmem>> -> memref<128x16xf32, #tpu.memory_space<vmem>>
    %dma_wait3A_75 = arith.constant 0 : i32
    %dma_wait3A_76 = tpu.memref_slice %arg5[%dma_wait3A_71, %dma_wait3A_75] : memref<4x128xi32, #tpu.memory_space<vmem>> -> memref<1x128xi32, #tpu.memory_space<vmem>>
    %dma_wait3A_77 = tpu.memref_squeeze %dma_wait3A_76 : memref<1x128xi32, #tpu.memory_space<vmem>> -> memref<128xi32, #tpu.memory_space<vmem>>
    %dma_wait3A_78 = arith.constant 0 : i32
    %dma_wait3A_79 = arith.constant 0 : i32
    %dma_wait3A_80 = tpu.memref_slice %arg3[%dma_wait3A_78, %dma_wait3A_79] : memref<524288x16xf32, #tpu.memory_space<hbm>> -> memref<524288x16xf32, #tpu.memory_space<hbm>>
    tpu.wait_indirect_dma semaphore(%arg7 : memref<!tpu.dma_semaphore, #tpu.memory_space<semaphore_mem>>) src(%dma_wait3A_80 : memref<524288x16xf32, #tpu.memory_space<hbm>>) dst(%dma_wait3A_74 : memref<128x16xf32, #tpu.memory_space<vmem>>)
    %mul3A_81 = arith.constant 512 : i32
    %mul3A_82 = arith.muli %add3A, %mul3A_81 : i32
    "tpu.region"() ({
      %run_scoped3A = tpu.sem_alloc : memref<!tpu.dma_semaphore, #tpu.memory_space<semaphore_mem>>
      %dma_start3A_83 = arith.constant 0 : i32
      %dma_start3A_84 = tpu.memref_slice %arg4[%mul3A_82, %dma_start3A_83] : memref<16384x16xf32, #tpu.memory_space<hbm>> -> memref<512x16xf32, #tpu.memory_space<hbm>>
      %dma_start3A_85 = arith.constant 0 : i32
      %dma_start3A_86 = tpu.memref_slice %arg4[%mul3A_82, %dma_start3A_85] : memref<16384x16xf32, #tpu.memory_space<hbm>> -> memref<512x16xf32, #tpu.memory_space<hbm>>
      tpu.enqueue_dma source(%arg6 : memref<512x16xf32, #tpu.memory_space<vmem>>) target(%dma_start3A_86 : memref<512x16xf32, #tpu.memory_space<hbm>>) target_semaphore(%run_scoped3A : memref<!tpu.dma_semaphore, #tpu.memory_space<semaphore_mem>>)
      %dma_wait3A_87 = arith.constant 0 : i32
      %dma_wait3A_88 = tpu.memref_slice %arg4[%mul3A_82, %dma_wait3A_87] : memref<16384x16xf32, #tpu.memory_space<hbm>> -> memref<512x16xf32, #tpu.memory_space<hbm>>
      %dma_wait3A_89 = arith.constant 0 : i32
      %dma_wait3A_90 = tpu.memref_slice %arg4[%mul3A_82, %dma_wait3A_89] : memref<16384x16xf32, #tpu.memory_space<hbm>> -> memref<512x16xf32, #tpu.memory_space<hbm>>
      tpu.wait_dma2 semaphore(%run_scoped3A : memref<!tpu.dma_semaphore, #tpu.memory_space<semaphore_mem>>) src(%arg6 : memref<512x16xf32, #tpu.memory_space<vmem>>) dst(%dma_wait3A_90 : memref<512x16xf32, #tpu.memory_space<hbm>>)
      tpu.yield
    }) : () -> ()
    return
  }
}

module attributes {stable_mosaic.version = 14 : i64} {
  func.func @_repack_body(%arg0: i32, %arg1: memref<2048x8x16xf32, #tpu.memory_space<vmem>>, %arg2: memref<2048x128xf32, #tpu.memory_space<vmem>>) attributes {dimension_semantics = [#tpu.dimension_semantics<arbitrary>], iteration_bounds = array<i64: 32>, scalar_prefetch = 0 : i64, scratch_operands = 0 : i64, tpu.core_type = #tpu.core_type<tc>, window_params = [{transform_indices = @transform_0, window_bounds = array<i64: 2048, 8, 16>}, {transform_indices = @transform_1, window_bounds = array<i64: 2048, 128>}]} {
    %get3A = arith.constant 0 : index
    %get3A_0 = arith.constant 0 : index
    %get3A_1 = arith.constant 0 : index
    %get3A_2 = vector.load %arg1[%get3A, %get3A_0, %get3A_1] : memref<2048x8x16xf32, #tpu.memory_space<vmem>>, vector<2048x1x16xf32>
    %get3A_3 = vector.shape_cast %get3A_2 : vector<2048x1x16xf32> to vector<2048x16xf32>
    %swap3A = arith.constant 0 : index
    %swap3A_4 = arith.constant 0 : index
    %swap3A_5 = vector.load %arg2[%swap3A, %swap3A_4] : memref<2048x128xf32, #tpu.memory_space<vmem>>, vector<2048x16xf32>
    tpu.vector_store %arg2[%swap3A, %swap3A_4], %get3A_3 {strides = array<i32>} : memref<2048x128xf32, #tpu.memory_space<vmem>>, vector<2048x16xf32>,
    %get3A_6 = arith.constant 0 : index
    %get3A_7 = arith.constant 1 : index
    %get3A_8 = arith.constant 0 : index
    %get3A_9 = vector.load %arg1[%get3A_6, %get3A_7, %get3A_8] : memref<2048x8x16xf32, #tpu.memory_space<vmem>>, vector<2048x1x16xf32>
    %get3A_10 = vector.shape_cast %get3A_9 : vector<2048x1x16xf32> to vector<2048x16xf32>
    %swap3A_11 = arith.constant 0 : index
    %swap3A_12 = arith.constant 16 : index
    %swap3A_13 = vector.load %arg2[%swap3A_11, %swap3A_12] : memref<2048x128xf32, #tpu.memory_space<vmem>>, vector<2048x16xf32>
    tpu.vector_store %arg2[%swap3A_11, %swap3A_12], %get3A_10 {strides = array<i32>} : memref<2048x128xf32, #tpu.memory_space<vmem>>, vector<2048x16xf32>,
    %get3A_14 = arith.constant 0 : index
    %get3A_15 = arith.constant 2 : index
    %get3A_16 = arith.constant 0 : index
    %get3A_17 = vector.load %arg1[%get3A_14, %get3A_15, %get3A_16] : memref<2048x8x16xf32, #tpu.memory_space<vmem>>, vector<2048x1x16xf32>
    %get3A_18 = vector.shape_cast %get3A_17 : vector<2048x1x16xf32> to vector<2048x16xf32>
    %swap3A_19 = arith.constant 0 : index
    %swap3A_20 = arith.constant 32 : index
    %swap3A_21 = vector.load %arg2[%swap3A_19, %swap3A_20] : memref<2048x128xf32, #tpu.memory_space<vmem>>, vector<2048x16xf32>
    tpu.vector_store %arg2[%swap3A_19, %swap3A_20], %get3A_18 {strides = array<i32>} : memref<2048x128xf32, #tpu.memory_space<vmem>>, vector<2048x16xf32>,
    %get3A_22 = arith.constant 0 : index
    %get3A_23 = arith.constant 3 : index
    %get3A_24 = arith.constant 0 : index
    %get3A_25 = vector.load %arg1[%get3A_22, %get3A_23, %get3A_24] : memref<2048x8x16xf32, #tpu.memory_space<vmem>>, vector<2048x1x16xf32>
    %get3A_26 = vector.shape_cast %get3A_25 : vector<2048x1x16xf32> to vector<2048x16xf32>
    %swap3A_27 = arith.constant 0 : index
    %swap3A_28 = arith.constant 48 : index
    %swap3A_29 = vector.load %arg2[%swap3A_27, %swap3A_28] : memref<2048x128xf32, #tpu.memory_space<vmem>>, vector<2048x16xf32>
    tpu.vector_store %arg2[%swap3A_27, %swap3A_28], %get3A_26 {strides = array<i32>} : memref<2048x128xf32, #tpu.memory_space<vmem>>, vector<2048x16xf32>,
    %get3A_30 = arith.constant 0 : index
    %get3A_31 = arith.constant 4 : index
    %get3A_32 = arith.constant 0 : index
    %get3A_33 = vector.load %arg1[%get3A_30, %get3A_31, %get3A_32] : memref<2048x8x16xf32, #tpu.memory_space<vmem>>, vector<2048x1x16xf32>
    %get3A_34 = vector.shape_cast %get3A_33 : vector<2048x1x16xf32> to vector<2048x16xf32>
    %swap3A_35 = arith.constant 0 : index
    %swap3A_36 = arith.constant 64 : index
    %swap3A_37 = vector.load %arg2[%swap3A_35, %swap3A_36] : memref<2048x128xf32, #tpu.memory_space<vmem>>, vector<2048x16xf32>
    tpu.vector_store %arg2[%swap3A_35, %swap3A_36], %get3A_34 {strides = array<i32>} : memref<2048x128xf32, #tpu.memory_space<vmem>>, vector<2048x16xf32>,
    %get3A_38 = arith.constant 0 : index
    %get3A_39 = arith.constant 5 : index
    %get3A_40 = arith.constant 0 : index
    %get3A_41 = vector.load %arg1[%get3A_38, %get3A_39, %get3A_40] : memref<2048x8x16xf32, #tpu.memory_space<vmem>>, vector<2048x1x16xf32>
    %get3A_42 = vector.shape_cast %get3A_41 : vector<2048x1x16xf32> to vector<2048x16xf32>
    %swap3A_43 = arith.constant 0 : index
    %swap3A_44 = arith.constant 80 : index
    %swap3A_45 = vector.load %arg2[%swap3A_43, %swap3A_44] : memref<2048x128xf32, #tpu.memory_space<vmem>>, vector<2048x16xf32>
    tpu.vector_store %arg2[%swap3A_43, %swap3A_44], %get3A_42 {strides = array<i32>} : memref<2048x128xf32, #tpu.memory_space<vmem>>, vector<2048x16xf32>,
    %get3A_46 = arith.constant 0 : index
    %get3A_47 = arith.constant 6 : index
    %get3A_48 = arith.constant 0 : index
    %get3A_49 = vector.load %arg1[%get3A_46, %get3A_47, %get3A_48] : memref<2048x8x16xf32, #tpu.memory_space<vmem>>, vector<2048x1x16xf32>
    %get3A_50 = vector.shape_cast %get3A_49 : vector<2048x1x16xf32> to vector<2048x16xf32>
    %swap3A_51 = arith.constant 0 : index
    %swap3A_52 = arith.constant 96 : index
    %swap3A_53 = vector.load %arg2[%swap3A_51, %swap3A_52] : memref<2048x128xf32, #tpu.memory_space<vmem>>, vector<2048x16xf32>
    tpu.vector_store %arg2[%swap3A_51, %swap3A_52], %get3A_50 {strides = array<i32>} : memref<2048x128xf32, #tpu.memory_space<vmem>>, vector<2048x16xf32>,
    %get3A_54 = arith.constant 0 : index
    %get3A_55 = arith.constant 7 : index
    %get3A_56 = arith.constant 0 : index
    %get3A_57 = vector.load %arg1[%get3A_54, %get3A_55, %get3A_56] : memref<2048x8x16xf32, #tpu.memory_space<vmem>>, vector<2048x1x16xf32>
    %get3A_58 = vector.shape_cast %get3A_57 : vector<2048x1x16xf32> to vector<2048x16xf32>
    %swap3A_59 = arith.constant 0 : index
    %swap3A_60 = arith.constant 112 : index
    %swap3A_61 = vector.load %arg2[%swap3A_59, %swap3A_60] : memref<2048x128xf32, #tpu.memory_space<vmem>>, vector<2048x16xf32>
    tpu.vector_store %arg2[%swap3A_59, %swap3A_60], %get3A_58 {strides = array<i32>} : memref<2048x128xf32, #tpu.memory_space<vmem>>, vector<2048x16xf32>,
    return
  }
  func.func @transform_0(%arg0: i32) -> (i32, i32, i32) {
    %c0_i32 = arith.constant 0 : i32
    %c0_i32_0 = arith.constant 0 : i32
    %c0_i32_1 = arith.constant 0 : i32
    return %arg0, %c0_i32, %c0_i32_0 : i32, i32, i32
  }
  func.func @transform_1(%arg0: i32) -> (i32, i32) {
    %c0_i32 = arith.constant 0 : i32
    %c0_i32_0 = arith.constant 0 : i32
    return %arg0, %c0_i32 : i32, i32
  }
}

module attributes {stable_mosaic.version = 14 : i64} {
  func.func @_mlp_body(%arg0: i32, %arg1: memref<1024x16xf32, #tpu.memory_space<vmem>>, %arg2: memref<1024x1xi32, #tpu.memory_space<vmem>>, %arg3: memref<68x768xbf16, #tpu.memory_space<vmem>>, %arg4: memref<3072x768xbf16, #tpu.memory_space<vmem>>, %arg5: memref<4x768xbf16, #tpu.memory_space<vmem>>, %arg6: memref<1024x768xf32, #tpu.memory_space<vmem>>) attributes {dimension_semantics = [#tpu.dimension_semantics<arbitrary>], iteration_bounds = array<i64: 16>, scalar_prefetch = 0 : i64, scratch_operands = 0 : i64, tpu.core_type = #tpu.core_type<tc>, window_params = [{transform_indices = @transform_0, window_bounds = array<i64: 1024, 16>}, {transform_indices = @transform_1, window_bounds = array<i64: 1024, 1>}, {pipeline_mode = #tpu.pipeline_mode<synchronous>, transform_indices = @transform_2, window_bounds = array<i64: 68, 768>}, {pipeline_mode = #tpu.pipeline_mode<synchronous>, transform_indices = @transform_3, window_bounds = array<i64: 3072, 768>}, {pipeline_mode = #tpu.pipeline_mode<synchronous>, transform_indices = @transform_4, window_bounds = array<i64: 4, 768>}, {transform_indices = @transform_5, window_bounds = array<i64: 1024, 768>}]} {
    %get3A = arith.constant 0 : index
    %get3A_0 = arith.constant 0 : index
    %get3A_1 = vector.load %arg1[%get3A, %get3A_0] : memref<1024x16xf32, #tpu.memory_space<vmem>>, vector<1024x16xf32>
    %get3A_2 = arith.constant 0 : index
    %get3A_3 = arith.constant 0 : index
    %get3A_4 = vector.load %arg2[%get3A_2, %get3A_3] : memref<1024x1xi32, #tpu.memory_space<vmem>>, vector<1024x1xi32>
    %shift_right_logical3A = arith.constant 17 : i32
    %shift_right_logical3A_5 = vector.broadcast %shift_right_logical3A : i32 to vector<1024x1xi32>
    %shift_right_logical3A_6 = arith.shrui %get3A_4, %shift_right_logical3A_5 : vector<1024x1xi32>
    %iota3A = tpu.iota {dimensions = array<i32: 1>} : vector<1x4xi32>
    %eq3A = vector.broadcast %shift_right_logical3A_6 : vector<1024x1xi32> to vector<1024x4xi32>
    %eq3A_7 = vector.broadcast %iota3A : vector<1x4xi32> to vector<1024x4xi32>
    %eq3A_8 = arith.cmpi eq, %eq3A, %eq3A_7 : vector<1024x4xi32>
    %convert_element_type3A = arith.extui %eq3A_8 : vector<1024x4xi1> to vector<1024x4xi32>
    %convert_element_type3A_9 = arith.sitofp %convert_element_type3A : vector<1024x4xi32> to vector<1024x4xf32>
    %convert_element_type3A_10 = arith.truncf %convert_element_type3A_9 : vector<1024x4xf32> to vector<1024x4xbf16>
    %convert_element_type3A_11 = arith.truncf %get3A_1 : vector<1024x16xf32> to vector<1024x16xbf16>
    %slice3A = vector.extract_strided_slice %convert_element_type3A_10 {offsets = [0, 0], sizes = [1024, 1], strides = [1, 1]} : vector<1024x4xbf16> to vector<1024x1xbf16>
    %mul3A = vector.broadcast %slice3A : vector<1024x1xbf16> to vector<1024x16xbf16>
    %mul3A_12 = arith.mulf %convert_element_type3A_11, %mul3A : vector<1024x16xbf16>
    %slice3A_13 = vector.extract_strided_slice %convert_element_type3A_10 {offsets = [0, 1], sizes = [1024, 1], strides = [1, 1]} : vector<1024x4xbf16> to vector<1024x1xbf16>
    %mul3A_14 = vector.broadcast %slice3A_13 : vector<1024x1xbf16> to vector<1024x16xbf16>
    %mul3A_15 = arith.mulf %convert_element_type3A_11, %mul3A_14 : vector<1024x16xbf16>
    %slice3A_16 = vector.extract_strided_slice %convert_element_type3A_10 {offsets = [0, 2], sizes = [1024, 1], strides = [1, 1]} : vector<1024x4xbf16> to vector<1024x1xbf16>
    %mul3A_17 = vector.broadcast %slice3A_16 : vector<1024x1xbf16> to vector<1024x16xbf16>
    %mul3A_18 = arith.mulf %convert_element_type3A_11, %mul3A_17 : vector<1024x16xbf16>
    %slice3A_19 = vector.extract_strided_slice %convert_element_type3A_10 {offsets = [0, 3], sizes = [1024, 1], strides = [1, 1]} : vector<1024x4xbf16> to vector<1024x1xbf16>
    %mul3A_20 = vector.broadcast %slice3A_19 : vector<1024x1xbf16> to vector<1024x16xbf16>
    %mul3A_21 = arith.mulf %convert_element_type3A_11, %mul3A_20 : vector<1024x16xbf16>
    %concatenate3A = tpu.concatenate %mul3A_12, %mul3A_15, %mul3A_18, %mul3A_21, %convert_element_type3A_10 in 1 : vector<1024x16xbf16>, vector<1024x16xbf16>, vector<1024x16xbf16>, vector<1024x16xbf16>, vector<1024x4xbf16> -> vector<1024x68xbf16>
    %get3A_22 = arith.constant 0 : index
    %get3A_23 = arith.constant 0 : index
    %get3A_24 = vector.load %arg3[%get3A_22, %get3A_23] : memref<68x768xbf16, #tpu.memory_space<vmem>>, vector<68x768xbf16>
    %dot_general3A = arith.constant dense<0.000000e+00> : vector<1024x768xf32>
    %dot_general3A_25 = tpu.matmul %concatenate3A, %get3A_24, %dot_general3A {dimension_numbers = #tpu.dot_dimension_numbers<[1], [0], [0], [1], [0, 0, 1, 1], [], []>, transpose_lhs_hint = false} : vector<1024x68xbf16>, vector<68x768xbf16>, vector<1024x768xf32> -> vector<1024x768xf32>
    %mul3A_26 = arith.constant 5.000000e-01 : f32
    %mul3A_27 = vector.broadcast %mul3A_26 : f32 to vector<1024x768xf32>
    %mul3A_28 = arith.mulf %mul3A_27, %dot_general3A_25 : vector<1024x768xf32>
    %mul3A_29 = arith.constant 0.707106769 : f32
    %mul3A_30 = vector.broadcast %mul3A_29 : f32 to vector<1024x768xf32>
    %mul3A_31 = arith.mulf %dot_general3A_25, %mul3A_30 : vector<1024x768xf32>
    %erf3A = math.erf %mul3A_31 : vector<1024x768xf32>
    %add3A = arith.constant 1.000000e+00 : f32
    %add3A_32 = vector.broadcast %add3A : f32 to vector<1024x768xf32>
    %add3A_33 = arith.addf %add3A_32, %erf3A : vector<1024x768xf32>
    %mul3A_34 = arith.mulf %mul3A_28, %add3A_33 : vector<1024x768xf32>
    %convert_element_type3A_35 = arith.truncf %mul3A_34 : vector<1024x768xf32> to vector<1024x768xbf16>
    %slice3A_36 = vector.extract_strided_slice %convert_element_type3A_10 {offsets = [0, 0], sizes = [1024, 1], strides = [1, 1]} : vector<1024x4xbf16> to vector<1024x1xbf16>
    %mul3A_37 = vector.broadcast %slice3A_36 : vector<1024x1xbf16> to vector<1024x768xbf16>
    %mul3A_38 = arith.mulf %convert_element_type3A_35, %mul3A_37 : vector<1024x768xbf16>
    %slice3A_39 = vector.extract_strided_slice %convert_element_type3A_10 {offsets = [0, 1], sizes = [1024, 1], strides = [1, 1]} : vector<1024x4xbf16> to vector<1024x1xbf16>
    %mul3A_40 = vector.broadcast %slice3A_39 : vector<1024x1xbf16> to vector<1024x768xbf16>
    %mul3A_41 = arith.mulf %convert_element_type3A_35, %mul3A_40 : vector<1024x768xbf16>
    %slice3A_42 = vector.extract_strided_slice %convert_element_type3A_10 {offsets = [0, 2], sizes = [1024, 1], strides = [1, 1]} : vector<1024x4xbf16> to vector<1024x1xbf16>
    %mul3A_43 = vector.broadcast %slice3A_42 : vector<1024x1xbf16> to vector<1024x768xbf16>
    %mul3A_44 = arith.mulf %convert_element_type3A_35, %mul3A_43 : vector<1024x768xbf16>
    %slice3A_45 = vector.extract_strided_slice %convert_element_type3A_10 {offsets = [0, 3], sizes = [1024, 1], strides = [1, 1]} : vector<1024x4xbf16> to vector<1024x1xbf16>
    %mul3A_46 = vector.broadcast %slice3A_45 : vector<1024x1xbf16> to vector<1024x768xbf16>
    %mul3A_47 = arith.mulf %convert_element_type3A_35, %mul3A_46 : vector<1024x768xbf16>
    %concatenate3A_48 = tpu.concatenate %mul3A_38, %mul3A_41, %mul3A_44, %mul3A_47 in 1 : vector<1024x768xbf16>, vector<1024x768xbf16>, vector<1024x768xbf16>, vector<1024x768xbf16> -> vector<1024x3072xbf16>
    %get3A_49 = arith.constant 0 : index
    %get3A_50 = arith.constant 0 : index
    %get3A_51 = vector.load %arg5[%get3A_49, %get3A_50] : memref<4x768xbf16, #tpu.memory_space<vmem>>, vector<4x768xbf16>
    %dot_general3A_52 = arith.constant dense<0.000000e+00> : vector<1024x768xf32>
    %dot_general3A_53 = tpu.matmul %convert_element_type3A_10, %get3A_51, %dot_general3A_52 {dimension_numbers = #tpu.dot_dimension_numbers<[1], [0], [0], [1], [0, 0, 1, 1], [], []>, transpose_lhs_hint = false} : vector<1024x4xbf16>, vector<4x768xbf16>, vector<1024x768xf32> -> vector<1024x768xf32>
    %get3A_54 = arith.constant 0 : index
    %get3A_55 = arith.constant 0 : index
    %get3A_56 = vector.load %arg4[%get3A_54, %get3A_55] : memref<3072x768xbf16, #tpu.memory_space<vmem>>, vector<3072x768xbf16>
    %dot_general3A_57 = arith.constant dense<0.000000e+00> : vector<1024x768xf32>
    %dot_general3A_58 = tpu.matmul %concatenate3A_48, %get3A_56, %dot_general3A_57 {dimension_numbers = #tpu.dot_dimension_numbers<[1], [0], [0], [1], [0, 0, 1, 1], [], []>, transpose_lhs_hint = false} : vector<1024x3072xbf16>, vector<3072x768xbf16>, vector<1024x768xf32> -> vector<1024x768xf32>
    %add3A_59 = arith.addf %dot_general3A_53, %dot_general3A_58 : vector<1024x768xf32>
    %swap3A = arith.constant 0 : index
    %swap3A_60 = arith.constant 0 : index
    %swap3A_61 = vector.load %arg6[%swap3A, %swap3A_60] : memref<1024x768xf32, #tpu.memory_space<vmem>>, vector<1024x768xf32>
    tpu.vector_store %arg6[%swap3A, %swap3A_60], %add3A_59 {strides = array<i32>} : memref<1024x768xf32, #tpu.memory_space<vmem>>, vector<1024x768xf32>,
    return
  }
  func.func @transform_0(%arg0: i32) -> (i32, i32) {
    %c0_i32 = arith.constant 0 : i32
    %c0_i32_0 = arith.constant 0 : i32
    return %arg0, %c0_i32 : i32, i32
  }
  func.func @transform_1(%arg0: i32) -> (i32, i32) {
    %c0_i32 = arith.constant 0 : i32
    %c0_i32_0 = arith.constant 0 : i32
    return %arg0, %c0_i32 : i32, i32
  }
  func.func @transform_2(%arg0: i32) -> (i32, i32) {
    %c0_i32 = arith.constant 0 : i32
    %c0_i32_0 = arith.constant 0 : i32
    %c0_i32_1 = arith.constant 0 : i32
    return %c0_i32, %c0_i32_0 : i32, i32
  }
  func.func @transform_3(%arg0: i32) -> (i32, i32) {
    %c0_i32 = arith.constant 0 : i32
    %c0_i32_0 = arith.constant 0 : i32
    %c0_i32_1 = arith.constant 0 : i32
    return %c0_i32, %c0_i32_0 : i32, i32
  }
  func.func @transform_4(%arg0: i32) -> (i32, i32) {
    %c0_i32 = arith.constant 0 : i32
    %c0_i32_0 = arith.constant 0 : i32
    %c0_i32_1 = arith.constant 0 : i32
    return %c0_i32, %c0_i32_0 : i32, i32
  }
  func.func @transform_5(%arg0: i32) -> (i32, i32) {
    %c0_i32 = arith.constant 0 : i32
    %c0_i32_0 = arith.constant 0 : i32
    return %arg0, %c0_i32 : i32, i32
  }
}

</mosaic_0001>

<sc_bundles>
// kernel: kernel.5.cloned.1.call-start
scs
__scs_entry_jumppad:
0x0: {  	(pc) =	sbr.rel $0x88, $3  }
0x1: {  	(tag) =	ssettag $0x0;
	lr =	simm.s32 $0x1  }
0x2: {  	[smem:$0x3F9B] =	sst lr;
	_ =	strace $0xD0000000  }
0x3: {  	_ = 	snop  }
0x4: {  	_ = 	snop  }
0x5: {  	_ = 	snop  }
0x6: {  	_ = 	snop  }
0x7: {  	_ = 	snop  }
__scs_overlays_trampoline_lowered:
0x8: {  	[smem:$0x3FAA] =	sst s0  }
0x9: {  	[smem:$0x3FAB] =	sst s1  }
0xa: {  	[smem:$0x3FAC] =	sst s2  }
0xb: {  	[smem:$0x3FAD] =	sst s3  }
0xc: {  	[smem:$0x3FAE] =	sst s4  }
0xd: {  	[smem:$0x3FAF] =	sst s5  }
0xe: {  	[smem:$0x3FB0] =	sst s6  }
0xf: {  	[smem:$0x3FB1] =	sst s7  }
0x10: {  	[smem:$0x3FB2] =	sst s8  }
0x11: {  	[smem:$0x3FB3] =	sst s9;
	s0 =	simm.s32 @!p0 $0x0  }
0x12: {  	s1 =	sld [smem:$0x3F99];
	s0 =	simm.s32 @p0 $0x1  }
0x13: {  	[smem:$0x3FB4] =	sst s0;
	s0 =	simm.s32 @!p1 $0x0  }
0x14: {  	s2 =	sld [smem:$0x3F98];
	s0 =	simm.s32 @p1 $0x1  }
0x15: {  	[smem:$0x3FB5] =	sst s0;
	s0 =	simm.s32 @!p2 $0x0  }
0x16: {  	s3 =	sld [smem:$0x3FDB];
	s0 =	simm.s32 @p2 $0x1  }
0x17: {  	s4 =	simm.s32 $0x1BF5;
	[smem:$0x3FB7] =	sst s0  }
0x18: {  	s0 =	sld [smem:$0x3F9A];
	_ =	swait.ge [sflag:s4], $0x0  }
0x19: {  	s7 =	sld [smem:$0x3F9B]  }
0x1a: {  	s8 =	sadd.s32 $0xFFFFE003, lr  }
0x1b: {  	s9 =	sadd.s32 $0xFFFFFEF7, lr;
	s5 =	simm.s32 $0xFFFFFFFF;
	p2 =	slt.u32 s8, $0xFFFFF086  }
0x1c: {  	p1 =	slt.u32 s9, $0xF7A;
	s5 =	simm.s32 @!p2 $0x0  }
0x1d: {  	s5 =	simm.s32 @p1 $0x1;
	p0 =	seq.s32 s7, s2  }
0x1e: {  	s7 =	smul.u32 @!p0 $0xF7A, s2;
	p2 =	seq.s32 @!p0 s5, $0x0  }
0x1f: {  	s9 =	smul.u32 $0xF7A, s1;
	s8 =	simm.s32 @!p0 $0x1BF5;
	p2 =	por !p2, p0  }
0x20: {  	[sflag:s8] =	ssyncset.s32 @!p0 $0xFFFFF086;
	s6 =	sadd.s32 @!p0 s3, s7;
	s7 =	simm.s32 @!p0 $0x108  }
0x21: {  	s3 =	sadd.s32 s3, s9;
	s6 =	sadd.s32 @!p0 $0x88, s6;
	s7 =	simm.s32 @p2 $0x1082  }
0x22: {  	[simem:s7], [sflag:s8] =	dma.local @!p0 [hbm:s6], $0xF7A  }
0x23: {  	s9 =	sor.u32 $0xD0000000, s2;
	s6 =	simm.s32 $0x108;
	_ =	swait.ge @!p0 [sflag:s8], $0x0  }
0x24: {  	s3 =	sadd.s32 $0x88, s3;
	s6 =	simm.s32 @!p1 $0x1082;
	[sflag:s4] =	ssyncset.s32 $0xFFFFF086  }
0x25: {  	[simem:s6], [sflag:s4] =	dma.local [hbm:s3], $0xF7A  }
0x26: {  	[smem:$0x3F9B] =	sst s1;
	(tag) =	ssettag s2;
	_ =	strace s9  }
0x27: {  	s1 =	sld [smem:$0x3FAB]  }
0x28: {  	s2 =	sld [smem:$0x3FAC]  }
0x29: {  	s4 =	sld [smem:$0x3FAE]  }
0x2a: {  	p0 =	seq.s32 s5, $0x0;
	s5 =	sld [smem:$0x3FAF]  }
0x2b: {  	s6 =	sld [smem:$0x3FB0]  }
0x2c: {  	s7 =	sld [smem:$0x3FB1]  }
0x2d: {  	s3 =	simm.s32 $0x108;
	s8 =	sld [smem:$0x3FB2]  }
0x2e: {  	s3 =	simm.s32 @!p0 $0x1082;
	s9 =	sld [smem:$0x3FB3]  }
0x2f: {  	lr =	sadd.s32 s0, s3;
	s0 =	sld [smem:$0x3FAA]  }
0x30: {  	s3 =	sld [smem:$0x3FAD]  }
0x31: {  	[smem:$0x3FB6] =	sst s10  }
0x32: {  	s10 =	sld [smem:$0x3FB4];
	_ =	sdelay $0x3  }
0x33: {  	p0 =	seq.s32 s10, $0x1;
	s10 =	sld [smem:$0x3FB6];
	_ =	sdelay $0x3  }
0x34: {  	[smem:$0x3FB6] =	sst s10  }
0x35: {  	s10 =	sld [smem:$0x3FB5];
	_ =	sdelay $0x3  }
0x36: {  	p1 =	seq.s32 s10, $0x1;
	s10 =	sld [smem:$0x3FB6];
	_ =	sdelay $0x3  }
0x37: {  	[smem:$0x3FB6] =	sst s10  }
0x38: {  	s10 =	sld [smem:$0x3FB7]  }
0x39: {  	_ = 	snop;
	(pc) =	sbr.ind lr, $3  }
0x3a: {  	_ = 	snop  }
0x3b: {  	_ = 	snop  }
0x3c: {  	p2 =	seq.s32 s10, $0x1;
	s10 =	sld [smem:$0x3FB6]  }
0x3d: {  	_ =	shalt  }
0x3e: {  	_ =	shalt  }
0x3f: {  	_ =	shalt  }
0x40: {  	_ =	shalt  }
0x41: {  	_ =	shalt  }
0x42: {  	_ =	shalt  }
0x43: {  	_ =	shalt  }
0x44: {  	_ =	shalt  }
0x45: {  	_ =	shalt  }
0x46: {  	_ =	shalt  }
0x47: {  	_ =	shalt  }
0x48: {  	_ =	shalt  }
0x49: {  	_ =	shalt  }
0x4a: {  	_ =	shalt  }
0x4b: {  	_ =	shalt  }
0x4c: {  	_ =	shalt  }
0x4d: {  	_ =	shalt  }
0x4e: {  	_ =	shalt  }
0x4f: {  	_ =	shalt  }
0x50: {  	_ =	shalt  }
0x51: {  	_ =	shalt  }
0x52: {  	_ =	shalt  }
0x53: {  	_ =	shalt  }
0x54: {  	_ =	shalt  }
0x55: {  	_ =	shalt  }
0x56: {  	_ =	shalt  }
0x57: {  	_ =	shalt  }
0x58: {  	_ =	shalt  }
0x59: {  	_ =	shalt  }
0x5a: {  	_ =	shalt  }
0x5b: {  	_ =	shalt  }
0x5c: {  	_ =	shalt  }
0x5d: {  	_ =	shalt  }
0x5e: {  	_ =	shalt  }
0x5f: {  	_ =	shalt  }
0x60: {  	_ =	shalt  }
0x61: {  	_ =	shalt  }
0x62: {  	_ =	shalt  }
0x63: {  	_ =	shalt  }
0x64: {  	_ =	shalt  }
0x65: {  	_ =	shalt  }
0x66: {  	_ =	shalt  }
0x67: {  	_ =	shalt  }
0x68: {  	_ =	shalt  }
0x69: {  	_ =	shalt  }
0x6a: {  	_ =	shalt  }
0x6b: {  	_ =	shalt  }
0x6c: {  	_ =	shalt  }
0x6d: {  	_ =	shalt  }
0x6e: {  	_ =	shalt  }
0x6f: {  	_ =	shalt  }
0x70: {  	_ =	shalt  }
0x71: {  	_ =	shalt  }
0x72: {  	_ =	shalt  }
0x73: {  	_ =	shalt  }
0x74: {  	_ =	shalt  }
0x75: {  	_ =	shalt  }
0x76: {  	_ =	shalt  }
0x77: {  	_ =	shalt  }
0x78: {  	_ =	shalt  }
0x79: {  	_ =	shalt  }
0x7a: {  	_ =	shalt  }
0x7b: {  	_ =	shalt  }
0x7c: {  	_ =	shalt  }
0x7d: {  	_ =	shalt  }
0x7e: {  	_ =	shalt  }
0x7f: {  	_ =	shalt  }
0x80: {  	_ =	shalt  }
0x81: {  	_ =	shalt  }
0x82: {  	_ =	shalt  }
0x83: {  	_ =	shalt  }
0x84: {  	_ =	shalt  }
0x85: {  	_ =	shalt  }
0x86: {  	_ =	shalt  }
0x87: {  	_ =	shalt  }
.Lfunc_end0:
.L_simem_size_0:
called_computation_lowered:
.L_overlay_start_0:
0x88: {  	s2 =	sld [smem:$0x3FD9]  }
0x89: {  	s3 =	sld [smem:$0x3FFE];
	_ =	sdelay $0x1  }
0x8a: {  	s1 =	srdreg.scid  }
0x8b: {  	s0 =	sand.u32 $0x1, s1  }
0x8c: {  	s17 =	sshll.u32 s0, $0xA;
	s2 =	sadd.s32 s3, s2  }
0x8d: {  	s2 =	sadd.s32 s2, s17  }
0x8e: {  	[smem:$0x3FC2] =	sst s2  }
0x8f: {  	_ = 	snop  }
0x90: {  	s2 =	sld [smem:$0x3FD0];
	(tm) =	ssettm $0x1  }
0x91: {  	s18 =	sld [smem:$0x3FFB];
	_ =	sdelay $0x3  }
0x92: {  	_ =	strace s18  }
0x93: {  	s3 =	sld [smem:$0x3FFC];
	_ =	sdelay $0x3  }
0x94: {  	_ =	strace s3  }
0x95: {  	s3 =	sld [smem:$0x3FFD];
	_ =	sdelay $0x3  }
0x96: {  	_ =	strace s3  }
0x97: {  	_ =	strace $0x8FFFFFFF  }
0x98: {  	s19 =	sld [smem:$0x3FDB];
	_ =	sdelay $0x1  }
0x99: {  	s4 =	simm.s32 $_scs_section_size  }
0x9a: {  	s5 =	simm.s32 $_size__tile_overlayer_lowered;
	s6 =	simm.s32 $_tile_overlayer_lowered  }
0x9b: {  	s22 =	simm.s32 $0x1BFF;
	s21 =	sshll.u32 s6, $0x1;
	s3 =	sadd.s32 s4, s19  }
0x9c: {  	s7 =	simm.s32 $0x0;
	s20 =	sshll.u32 s5, $0x1;
	s5 =	sadd.s32 s21, s3  }
0x9d: {  	[timem:s7], [sflag:s22] =	dma.local [hbm:s5], s20  }
0x9e: {  	_ =	swait.ge [sflag:s22], s20  }
0x9f: {  	s4 =	ssub.s32 $0x0, s20;
	[sflag:s22] =	ssyncset.done $0x0  }
0xa0: {  	[sflag:s22] =	ssyncadd.s32 s4;
	_ =	sdelay $0x1  }
0xa1: {  	s23 =	simm.s32 $0x1B8B  }
0xa2: {  	_ =	swait.ge [sflag:s23], $0x1  }
0xa3: {  	[sflag:s23] =	ssyncset.done $0x0  }
0xa4: {  	s25 =	simm.s32 $0x1B8E;
	s24 =	sld [smem:$0x3FFE];
	[sflag:s23] =	ssyncadd.s32 $0xFFFFFFFF  }
0xa5: {  	s26 =	simm.s32 $execute0_lowered;
	[smem:$0x3FD2] =	sst s25  }
0xa6: {  	s5 =	sshll.u32 s26, $0x1;
	_ =	strace $0x80000046;
	[dreg:$0x1] =	wrdreg $0xFFFFFFFF  }
0xa7: {  	s28 =	simm.s32 $_size_execute0_lowered;
	s3 =	sadd.s32 s3, s5;
	[dreg:$0x0] =	wrdreg $0x0  }
0xa8: {  	s5 =	sshll.u32 s28, $0x1;
	[dreg:$0x2] =	wrdreg s3  }
0xa9: {  	[dreg:$0x3] =	wrdreg s5  }
0xaa: {  	[dreg:$0x4] =	wrdreg $0xC0  }
0xab: {  	_ =	task [dreg:s7], $0x5FFFF  }
0xac: {  	[dreg:$0x1] =	wrdreg $0xFFFFFFFF  }
0xad: {  	[dreg:$0x0] =	wrdreg $0x60  }
0xae: {  	[dreg:$0x2] =	wrdreg s24  }
0xaf: {  	[dreg:$0x3] =	wrdreg s2  }
0xb0: {  	[dreg:$0x4] =	wrdreg $0x9  }
0xb1: {  	_ =	task.clear_ibuf [dreg:s7], $0x5FFFF;
	_ =	strace $0x90000046  }
0xb2: {  	s29 =	simm.s32 $0x9;
	_ =	strace $0x80000048  }
0xb3: {  	_ =	swait.ge [sflag:s29], $0x1  }
0xb4: {  	[sflag:s29] =	ssyncadd.s32 $0xFFFFFFFF  }
0xb5: {  	_ =	strace $0x90000048  }
0xb6: {  	_ =	sfence  }
0xb7: {  	s30 =	sld [smem:$0x0];
	_ =	sdelay $0x2  }
0xb8: {  	s31 =	sshll.u32 s1, $0xD;
	s1 =	sshrl.u32 s1, $0x2  }
0xb9: {  	s3 =	sand.u32 $0x4000, s31;
	s1 =	sadd.s32 s1, s30  }
0xba: {  	s0 =	sor.u32 s3, s0;
	s1 =	sshll.u32 s1, $0x11  }
0xbb: {  	s0 =	sor.u32 s1, s0  }
0xbc: {  	s0 =	sadd.s32 $0x8F2B, s0  }
0xbd: {  	[sflag:s0] =	ssyncadd.remote.s32 $0x1  }
0xbe: {  	_ =	sfence.sel $0xFFFF  }
0xbf: {  	[dreg:$0x0] =	wrdreg $0xFFFFFFFF;
	(pc) =	sbr.abs _section_cstart, $3  }
0xc0: {  	[dreg:$0x1] =	wrdreg $0xFFFFFFFF  }
0xc1: {  	_ =	task.clear_ibuf [dreg:s7], $0x2FFFF;
	_ =	strace $0x9FFFFFFF  }
0xc2: {  	(tm) =	ssettm $0x7FFFFFFF  }
0xc3: {  	_ =	shalt  }
tec
execute0_lowered:
.L_overlay_start_1:
0x0: {  	(tag) =	ssettag $0x1  }
0x1: {  	s1 =	srdreg.scid;
	s0 =	stileid.u32  }
0x2: {  	s14 =	rddreg [dreg:$0x0];
	s15 =	sand.u32 $0x1, s1;
	s31 =	sshll.u32 s0, $0x1  }
0x3: {  	s2 =	rddreg [dreg:$0x1];
	s16 =	sor.u32 s15, s31  }
0x4: {  	s3 =	simm.s32 $0x0;
	s1 =	rddreg [dreg:$0x2];
	s4 =	sshll.u32 s16, $0x6  }
0x5: {  	[smem:$0x7FF] =	sst s3;
	s4 =	sadd.s32 s4, s14  }
0x6: {  	_ =	strace $0x80000047;
	s5 =	sadd.s32 $0xE00, s4;
	s4 =	simm.s32 $0x2  }
0x7: {  	[tilespmem:s3], [sflag:$0x2] =	stream.linear.gather [hbm4b:s5+s3], $0x200, $0x38;
	[tilespmem:$0x2200] =	vst v63  }
0x8: {  	_ =	swait.ge [sflag:s4], $0x200  }
0x9: {  	[sflag:s4] =	ssyncset.done $0x0  }
0xa: {  	s6 =	simm.s32 $0x80;
	s7 =	simm.s32 $0x200;
	[sflag:s4] =	ssyncadd.s32 $0xFFFFFE00  }
0xb: {  	[tilespmem:s7], [sflag:$0x1] =	stream.indirect.gather [hbm4b:s2+s6], $0x10, s3, s6, $0xb8;
	[tilespmem:$0x2200] =	vst v63  }
0xc: {  	s8 =	simm.s32 $0xA00  }
0xd: {  	[tilespmem:s8], [sflag:$0x1] =	stream.indirect.gather [hbm4b:s2+s6], $0x10, s6, s6, $0xb8;
	[tilespmem:$0x2200] =	vst v63  }
0xe: {  	s9 =	simm.s32 $0x100;
	s10 =	simm.s32 $0x1200  }
0xf: {  	[tilespmem:s10], [sflag:$0x1] =	stream.indirect.gather [hbm4b:s2+s6], $0x10, s9, s6, $0xb8;
	[tilespmem:$0x2200] =	vst v63  }
0x10: {  	s11 =	simm.s32 $0x180;
	s12 =	simm.s32 $0x1A00;
	s13 =	simm.s32 $0x1  }
0x11: {  	[tilespmem:s12], [sflag:$0x1] =	stream.indirect.gather [hbm4b:s2+s6], $0x10, s11, s6, $0xb8;
	[tilespmem:$0x2200] =	vst v63  }
0x12: {  	_ =	swait.ge [sflag:s13], $0x800  }
0x13: {  	[sflag:s13] =	ssyncset.done $0x0  }
0x14: {  	[sflag:s13] =	ssyncadd.s32 $0xFFFFF800  }
0x15: {  	_ =	swait.ge [sflag:s13], $0x800  }
0x16: {  	[sflag:s13] =	ssyncset.done $0x0  }
0x17: {  	s15 =	ssub.s32 $0x2, s15;
	[sflag:s13] =	ssyncadd.s32 $0xFFFFF800  }
0x18: {  	s17 =	sshrl.u32 s15, $0x1;
	_ =	swait.ge [sflag:s13], $0x800  }
0x19: {  	s15 =	ssub.s32 s15, s17;
	[sflag:s13] =	ssyncset.done $0x0  }
0x1a: {  	s15 =	smax.u32 s15, $0x1;
	[sflag:s13] =	ssyncadd.s32 $0xFFFFF800  }
0x1b: {  	s16 =	sshll.u32 s16, $0xA;
	p0 =	sne.s32 s15, $0x1;
	_ =	swait.ge [sflag:s13], $0x800  }
.Ltmp0:
0x1c: {  	s14 =	sadd.s32 s16, s14;
	[sflag:s13] =	ssyncset.done $0x0;
	(pc) =	sbr.rel @!p0 .LBB2_2-.Ltmp0, $4  }
0x1d: {  	s14 =	sadd.s32 $0x1600, s14;
	[sflag:s13] =	ssyncadd.s32 $0xFFFFF800  }
0x1e: {  	[hbm4b:s14+s3] =	stream.linear.scatter [tilespmem:s7], [sflag:$0x2], $0x2000, $0x38;
	[tilespmem:$0x2200] =	vst v63  }
0x1f: {  	_ =	swait.ge [sflag:s4], $0x2000  }
0x20: {  	s15 =	sadd.s32 $0xFFFFFFFF, s15;
	[sflag:s4] =	ssyncset.done $0x0  }
.LBB2_1:
0x21: {  	p0 =	sne.s32 s15, $0x1;
	s15 =	sadd.s32 $0xFFFFFFFF, s15;
	[sflag:s4] =	ssyncadd.s32 $0xFFFFE000  }
0x22: {  	[tilespmem:s3], [sflag:$0x2] =	stream.linear.gather [hbm4b:s5+s3], $0x200, $0x38;
	[tilespmem:$0x2200] =	vst v63  }
0x23: {  	_ =	swait.ge [sflag:s4], $0x200  }
0x24: {  	[sflag:s4] =	ssyncset.done $0x0  }
0x25: {  	[sflag:s4] =	ssyncadd.s32 $0xFFFFFE00  }
0x26: {  	[tilespmem:s7], [sflag:$0x1] =	stream.indirect.gather [hbm4b:s2+s6], $0x10, s3, s6, $0xb8;
	[tilespmem:$0x2200] =	vst v63  }
0x27: {  	_ = 	snop  }
0x28: {  	[tilespmem:s8], [sflag:$0x1] =	stream.indirect.gather [hbm4b:s2+s6], $0x10, s6, s6, $0xb8;
	[tilespmem:$0x2200] =	vst v63  }
0x29: {  	_ = 	snop  }
0x2a: {  	[tilespmem:s10], [sflag:$0x1] =	stream.indirect.gather [hbm4b:s2+s6], $0x10, s9, s6, $0xb8;
	[tilespmem:$0x2200] =	vst v63  }
0x2b: {  	_ = 	snop  }
0x2c: {  	[tilespmem:s12], [sflag:$0x1] =	stream.indirect.gather [hbm4b:s2+s6], $0x10, s11, s6, $0xb8;
	[tilespmem:$0x2200] =	vst v63  }
0x2d: {  	_ =	swait.ge [sflag:s13], $0x800  }
0x2e: {  	[sflag:s13] =	ssyncset.done $0x0  }
0x2f: {  	[sflag:s13] =	ssyncadd.s32 $0xFFFFF800  }
0x30: {  	_ =	swait.ge [sflag:s13], $0x800  }
0x31: {  	[sflag:s13] =	ssyncset.done $0x0  }
0x32: {  	[sflag:s13] =	ssyncadd.s32 $0xFFFFF800  }
0x33: {  	_ =	swait.ge [sflag:s13], $0x800  }
0x34: {  	[sflag:s13] =	ssyncset.done $0x0  }
0x35: {  	[sflag:s13] =	ssyncadd.s32 $0xFFFFF800  }
0x36: {  	_ =	swait.ge [sflag:s13], $0x800  }
.Ltmp1:
0x37: {  	[sflag:s13] =	ssyncset.done $0x0;
	(pc) =	sbr.rel @p0 .LBB2_1-.Ltmp1, $4  }
0x38: {  	[sflag:s13] =	ssyncadd.s32 $0xFFFFF800  }
0x39: {  	[hbm4b:s14+s3] =	stream.linear.scatter [tilespmem:s7], [sflag:$0x2], $0x2000, $0x38;
	[tilespmem:$0x2200] =	vst v63  }
0x3a: {  	_ =	swait.ge [sflag:s4], $0x2000  }
0x3b: {  	[sflag:s4] =	ssyncset.done $0x0  }
.LBB2_2:
0x3c: {  	[sflag:s4] =	ssyncadd.s32 $0xFFFFE000  }
0x3d: {  	_ =	sfence.sel $0x180000  }
0x3e: {  	[bflag:$0x0] =	sbarrier.arrive $0xFFFF  }
0x3f: {  	p0 =	sne.s32 s0, $0x0;
	_ =	strace $0x90000047  }
0x40: {  	s0 =	sadd.s32 @!p0 $0x100000, s1;
	[bflag:$0x2] =	sbarrier.arrive $0xFFFF  }
0x41: {  	[sflag:s0] =	ssyncadd.tile.s32 @!p0 $0x1;
	_ =	shalt  }
.Lfunc_end2:
_tile_overlayer_lowered:
.L_overlay_start_2:
0x42: {  	(tag) =	ssettag $0x2  }
0x43: {  	s0 =	rddreg [dreg:$0x0];
	s2 =	stileid.u32  }
0x44: {  	s1 =	rddreg [dreg:$0x1];
	p0 =	sne.s32 s2, $0x0  }
0x45: {  	s3 =	rddreg [dreg:$0x2];
	[bflag:$0x3] =	sbarrier.arrive $0xFFFF;
	s2 =	simm.s32 @!p0 $0x1C02  }
0x46: {  	[timem:s3], [sflag:s2] =	dma.local @!p0 [hbm:s0], s1  }
0x47: {  	s0 =	simm.s32 @!p0 $0x2  }
0x48: {  	_ =	swait.ge @!p0 [sflag:s0], s1  }
0x49: {  	s1 =	ssub.s32 @!p0 $0x0, s1;
	[sflag:s0] =	ssyncset.done @!p0 $0x0  }
0x4a: {  	[sflag:s0] =	ssyncadd.s32 @!p0 s1  }
0x4b: {  	[bflag:$0x3] =	sbarrier.arrive $0xFFFF  }
0x4c: {  	_ =	shalt  }

</sc_bundles>
